<compile_context>
chip_gen: v7x
topology: tpu7x:2x2x1
jax: 0.10.2.dev20260603
libtpu: 0.0.44.dev20260713+nightly
codegen_flags: <defaults>
</compile_context>

<pallas_src>
import functools

import jax
import jax.numpy as jnp
from jax import lax
from jax.experimental import pallas as pl
from jax.experimental.pallas import tpu as pltpu
from jax.experimental.pallas import tpu_sc as plsc

BATCH = 16384
NUM_WORKERS = 32
CHUNK = BATCH // NUM_WORKERS
LANES = 16
STEPS = CHUNK // LANES


@functools.partial(
    pl.kernel,
    mesh=plsc.VectorSubcoreMesh(core_axis_name="c", subcore_axis_name="s"),
    out_type=jax.ShapeDtypeStruct((BATCH,), jnp.float32),
    scratch_types=[
        pltpu.VMEM((CHUNK,), jnp.int32),
        pltpu.VMEM((CHUNK,), jnp.float32),
        pltpu.VMEM((CHUNK,), jnp.float32),
        pltpu.VMEM((LANES,), jnp.float32),
        pltpu.SemaphoreType.DMA,
    ],
)
def _sc_forward(m1_hbm, m2_hbm, par_hbm, out_hbm,
                m1_v, m2_v, out_v, par_v, sem):
    wid = lax.axis_index("s") * 2 + lax.axis_index("c")
    base = wid * CHUNK
    copies = [
        pltpu.async_copy(m1_hbm.at[pl.ds(base, CHUNK)], m1_v, sem),
        pltpu.async_copy(m2_hbm.at[pl.ds(base, CHUNK)], m2_v, sem),
        pltpu.async_copy(par_hbm, par_v, sem),
    ]
    for c in copies:
        c.wait()

    par = par_v[...]
    t0 = jnp.full((LANES,), par[0], jnp.float32)
    t1 = jnp.full((LANES,), par[1], jnp.float32)
    nw0 = jnp.full((LANES,), par[2], jnp.float32)
    nw1 = jnp.full((LANES,), par[3], jnp.float32)
    nbb = jnp.full((LANES,), par[4], jnp.float32)

    def step(i, _):
        off = i * LANES
        ids = m1_v[pl.ds(off, LANES)]
        m2c = m2_v[pl.ds(off, LANES)]
        odd = (ids & jnp.int32(1)) == jnp.int32(1)
        emb = jnp.where(odd, t1, t0)
        zn = emb * nw0 + m2c * nw1 + nbb
        out_v[pl.ds(off, LANES)] = 1.0 / (1.0 + jnp.exp(zn))
        return _

    lax.fori_loop(0, STEPS, step, 0)
    pltpu.sync_copy(out_v, out_hbm.at[pl.ds(base, CHUNK)])


def kernel(m1, m2, emb_table, W, b):
    m1_flat = m1.reshape(-1).astype(jnp.int32)
    m2_flat = m2.reshape(-1).astype(jnp.float32)
    tab = emb_table.reshape(-1).astype(jnp.float32)
    w = W.reshape(-1).astype(jnp.float32)
    scal = jnp.stack([tab[0], tab[1], -w[0], -w[1], -b.reshape(-1)[0]])
    params = jnp.concatenate([scal, jnp.zeros((LANES - 5,), jnp.float32)])
    out = _sc_forward(m1_flat, m2_flat, params)
    return out.reshape(BATCH, 1)

# --- scband reference (transcript-rebuilt; emitter-appended) ---
"""Pipeline reference for scband-my-model-87522843558865 (READ-ONLY COPY).

The authoritative reference and input builder live on the scoring server;
editing this copy changes nothing except your own understanding.
"""

import jax, jax.numpy as jnp
import numpy as np

BATCH = 16384
HASH_BUCKETS = 2
EMB_DIM = 1

def setup_inputs(seed: int = 0) -> dict:
    key = jax.random.key(seed)
    k1, k2, k3, k4 = jax.random.split(key, 4)
    m1 = jax.random.randint(k1, (BATCH, 1), 0, 1000000)
    m2 = jax.random.normal(k2, (BATCH, 1), dtype=jnp.float32)
    # learned params: embedding table [2,1], dense kernel [2,1], bias [1]
    emb_table = jax.random.normal(k3, (HASH_BUCKETS, EMB_DIM), dtype=jnp.float32) * 0.05
    W = jax.random.normal(k4, (EMB_DIM + 1, 1), dtype=jnp.float32) * 0.5
    b = jnp.zeros((1,), dtype=jnp.float32)
    return {"m1": m1, "m2": m2, "emb_table": emb_table, "W": W, "b": b}

def reference(m1, m2, emb_table, W, b):
    # categorical_column_with_hash_bucket: hash int ids into HASH_BUCKETS buckets
    # (TF uses Fingerprint64; modulo is the faithful stand-in for bucketization)
    bucket = jnp.mod(m1[:, 0].astype(jnp.int32), HASH_BUCKETS)
    # embedding_column with combiner='mean' over a single id per row -> plain lookup
    emb = jnp.take(emb_table, bucket, axis=0)  # [B, 1]
    # DenseFeatures concatenates columns sorted by key: m1 embedding, then m2 numeric
    x = jnp.concatenate([emb, m2.astype(jnp.float32)], axis=1)  # [B, 2]
    # Dense(1, activation='sigmoid')
    return jax.nn.sigmoid(x @ W + b)

if __name__ == "__main__":
    import jax
    _d = setup_inputs()
    print(jax.jit(kernel)(*tuple(_d.values())))

</pallas_src>

<mosaic_0001>
#map = affine_map<(d0, d1) -> (0)>
module attributes {stable_mosaic.version = 14 : i64} {
  func.func @_sc_forward(%arg0: i32, %arg1: i32, %arg2: memref<16384xi32, #tpu.memory_space<hbm>>, %arg3: memref<16384xf32, #tpu.memory_space<hbm>>, %arg4: memref<16xf32, #tpu.memory_space<hbm>>, %arg5: memref<16384xf32, #tpu.memory_space<hbm>>, %arg6: memref<512xi32, #tpu.memory_space<vmem>>, %arg7: memref<512xf32, #tpu.memory_space<vmem>>, %arg8: memref<512xf32, #tpu.memory_space<vmem>>, %arg9: memref<16xf32, #tpu.memory_space<vmem>>, %arg10: memref<!tpu.dma_semaphore, #tpu.memory_space<semaphore_mem>>) attributes {dimension_semantics = [#tpu.dimension_semantics<core_parallel>, #tpu.dimension_semantics<subcore_parallel>], iteration_bounds = array<i64: 2, 16>, scalar_prefetch = 0 : i64, scratch_operands = 5 : i64, tpu.core_type = #tpu.core_type<sc_vector_subcore>, window_params = [{transform_indices = #map}, {transform_indices = #map}, {transform_indices = #map}, {transform_indices = #map}]} {
    %mul3A = arith.constant 2 : i32
    %mul3A_0 = arith.muli %arg1, %mul3A : i32
    %add3A = arith.addi %mul3A_0, %arg0 : i32
    %mul3A_1 = arith.constant 512 : i32
    %mul3A_2 = arith.muli %add3A, %mul3A_1 : i32
    %dma_start3A = tpu.memref_slice %arg2[%mul3A_2] : memref<16384xi32, #tpu.memory_space<hbm>> -> memref<512xi32, #tpu.memory_space<hbm>>
    %dma_start3A_3 = tpu.memref_slice %arg2[%mul3A_2] : memref<16384xi32, #tpu.memory_space<hbm>> -> memref<512xi32, #tpu.memory_space<hbm>>
    tpu.enqueue_dma source(%dma_start3A_3 : memref<512xi32, #tpu.memory_space<hbm>>) target(%arg6 : memref<512xi32, #tpu.memory_space<vmem>>) target_semaphore(%arg10 : memref<!tpu.dma_semaphore, #tpu.memory_space<semaphore_mem>>)
    %dma_start3A_4 = tpu.memref_slice %arg3[%mul3A_2] : memref<16384xf32, #tpu.memory_space<hbm>> -> memref<512xf32, #tpu.memory_space<hbm>>
    %dma_start3A_5 = tpu.memref_slice %arg3[%mul3A_2] : memref<16384xf32, #tpu.memory_space<hbm>> -> memref<512xf32, #tpu.memory_space<hbm>>
    tpu.enqueue_dma source(%dma_start3A_5 : memref<512xf32, #tpu.memory_space<hbm>>) target(%arg7 : memref<512xf32, #tpu.memory_space<vmem>>) target_semaphore(%arg10 : memref<!tpu.dma_semaphore, #tpu.memory_space<semaphore_mem>>)
    tpu.enqueue_dma source(%arg4 : memref<16xf32, #tpu.memory_space<hbm>>) target(%arg9 : memref<16xf32, #tpu.memory_space<vmem>>) target_semaphore(%arg10 : memref<!tpu.dma_semaphore, #tpu.memory_space<semaphore_mem>>)
    %dma_wait3A = tpu.memref_slice %arg2[%mul3A_2] : memref<16384xi32, #tpu.memory_space<hbm>> -> memref<512xi32, #tpu.memory_space<hbm>>
    %dma_wait3A_6 = tpu.memref_slice %arg2[%mul3A_2] : memref<16384xi32, #tpu.memory_space<hbm>> -> memref<512xi32, #tpu.memory_space<hbm>>
    tpu.wait_dma2 semaphore(%arg10 : memref<!tpu.dma_semaphore, #tpu.memory_space<semaphore_mem>>) src(%dma_wait3A_6 : memref<512xi32, #tpu.memory_space<hbm>>) dst(%arg6 : memref<512xi32, #tpu.memory_space<vmem>>)
    %dma_wait3A_7 = tpu.memref_slice %arg3[%mul3A_2] : memref<16384xf32, #tpu.memory_space<hbm>> -> memref<512xf32, #tpu.memory_space<hbm>>
    %dma_wait3A_8 = tpu.memref_slice %arg3[%mul3A_2] : memref<16384xf32, #tpu.memory_space<hbm>> -> memref<512xf32, #tpu.memory_space<hbm>>
    tpu.wait_dma2 semaphore(%arg10 : memref<!tpu.dma_semaphore, #tpu.memory_space<semaphore_mem>>) src(%dma_wait3A_8 : memref<512xf32, #tpu.memory_space<hbm>>) dst(%arg7 : memref<512xf32, #tpu.memory_space<vmem>>)
    tpu.wait_dma2 semaphore(%arg10 : memref<!tpu.dma_semaphore, #tpu.memory_space<semaphore_mem>>) src(%arg4 : memref<16xf32, #tpu.memory_space<hbm>>) dst(%arg9 : memref<16xf32, #tpu.memory_space<vmem>>)
    %get3A = arith.constant 0 : index
    %get3A_9 = tpu.vector_load %arg9[%get3A] {strides = array<i32>} : memref<16xf32, #tpu.memory_space<vmem>>, vector<16xf32>,
    %get3A_10 = vector.shape_cast %get3A_9 : vector<16xf32> to vector<16xf32>
    %slice3A = vector.extract_strided_slice %get3A_10 {offsets = [0], sizes = [1], strides = [1]} : vector<16xf32> to vector<1xf32>
    %squeeze3A = vector.extract %slice3A[0] : f32 from vector<1xf32>
    %broadcast_in_dim3A = vector.broadcast %squeeze3A : f32 to vector<16xf32>
    %slice3A_11 = vector.extract_strided_slice %get3A_10 {offsets = [1], sizes = [1], strides = [1]} : vector<16xf32> to vector<1xf32>
    %squeeze3A_12 = vector.extract %slice3A_11[0] : f32 from vector<1xf32>
    %broadcast_in_dim3A_13 = vector.broadcast %squeeze3A_12 : f32 to vector<16xf32>
    %slice3A_14 = vector.extract_strided_slice %get3A_10 {offsets = [2], sizes = [1], strides = [1]} : vector<16xf32> to vector<1xf32>
    %squeeze3A_15 = vector.extract %slice3A_14[0] : f32 from vector<1xf32>
    %broadcast_in_dim3A_16 = vector.broadcast %squeeze3A_15 : f32 to vector<16xf32>
    %slice3A_17 = vector.extract_strided_slice %get3A_10 {offsets = [3], sizes = [1], strides = [1]} : vector<16xf32> to vector<1xf32>
    %squeeze3A_18 = vector.extract %slice3A_17[0] : f32 from vector<1xf32>
    %broadcast_in_dim3A_19 = vector.broadcast %squeeze3A_18 : f32 to vector<16xf32>
    %slice3A_20 = vector.extract_strided_slice %get3A_10 {offsets = [4], sizes = [1], strides = [1]} : vector<16xf32> to vector<1xf32>
    %squeeze3A_21 = vector.extract %slice3A_20[0] : f32 from vector<1xf32>
    %broadcast_in_dim3A_22 = vector.broadcast %squeeze3A_21 : f32 to vector<16xf32>
    %scan3A = arith.constant 0 : i32
    %scan3A_23 = arith.constant 0 : i32
    %scan3A_24 = arith.constant 32 : i32
    %scan3A_25 = arith.addi %scan3A_23, %scan3A_24 : i32
    %scan3A_26 = arith.constant 1 : i32
    scf.for %scan3A_28 = %scan3A_23 to %scan3A_25 step %scan3A_26  : i32 {
      %mul3A_29 = arith.constant 16 : i32
      %mul3A_30 = arith.muli %scan3A_28, %mul3A_29 : i32
      %get3A_31 = arith.index_cast %mul3A_30 : i32 to index
      %get3A_32 = tpu.vector_load %arg6[%get3A_31] {strides = array<i32>} : memref<512xi32, #tpu.memory_space<vmem>>, vector<16xi32>,
      %get3A_33 = vector.shape_cast %get3A_32 : vector<16xi32> to vector<16xi32>
      %get3A_34 = arith.index_cast %mul3A_30 : i32 to index
      %get3A_35 = tpu.vector_load %arg7[%get3A_34] {strides = array<i32>} : memref<512xf32, #tpu.memory_space<vmem>>, vector<16xf32>,
      %get3A_36 = vector.shape_cast %get3A_35 : vector<16xf32> to vector<16xf32>
      %and3A = arith.constant 1 : i32
      %and3A_37 = vector.broadcast %and3A : i32 to vector<16xi32>
      %and3A_38 = arith.andi %get3A_33, %and3A_37 : vector<16xi32>
      %eq3A = arith.constant 1 : i32
      %eq3A_39 = vector.broadcast %eq3A : i32 to vector<16xi32>
      %eq3A_40 = arith.cmpi eq, %and3A_38, %eq3A_39 : vector<16xi32>
      %select_n3A = arith.select %eq3A_40, %broadcast_in_dim3A_13, %broadcast_in_dim3A : vector<16xi1>, vector<16xf32>
      %mul3A_41 = arith.mulf %select_n3A, %broadcast_in_dim3A_16 : vector<16xf32>
      %mul3A_42 = arith.mulf %get3A_36, %broadcast_in_dim3A_19 : vector<16xf32>
      %add3A_43 = arith.addf %mul3A_41, %mul3A_42 : vector<16xf32>
      %add3A_44 = arith.addf %add3A_43, %broadcast_in_dim3A_22 : vector<16xf32>
      %exp3A = math.exp %add3A_44 : vector<16xf32>
      %add3A_45 = arith.constant 1.000000e+00 : f32
      %add3A_46 = vector.broadcast %add3A_45 : f32 to vector<16xf32>
      %add3A_47 = arith.addf %add3A_46, %exp3A : vector<16xf32>
      %div3A = arith.constant 1.000000e+00 : f32
      %div3A_48 = vector.broadcast %div3A : f32 to vector<16xf32>
      %div3A_49 = arith.divf %div3A_48, %add3A_47 : vector<16xf32>
      %swap3A = arith.index_cast %mul3A_30 : i32 to index
      %swap3A_50 = tpu.vector_load %arg8[%swap3A] {strides = array<i32>} : memref<512xf32, #tpu.memory_space<vmem>>, vector<16xf32>,
      %swap3A_51 = vector.shape_cast %swap3A_50 : vector<16xf32> to vector<16xf32>
      %swap3A_52 = vector.shape_cast %div3A_49 : vector<16xf32> to vector<16xf32>
      tpu.vector_store %arg8[%swap3A], %swap3A_52 {strides = array<i32>} : memref<512xf32, #tpu.memory_space<vmem>>, vector<16xf32>,
    }
    %scan3A_27 = arith.constant 32 : i32
    "tpu.region"() ({
      %run_scoped3A = tpu.sem_alloc : memref<!tpu.dma_semaphore, #tpu.memory_space<semaphore_mem>>
      %dma_start3A_28 = tpu.memref_slice %arg5[%mul3A_2] : memref<16384xf32, #tpu.memory_space<hbm>> -> memref<512xf32, #tpu.memory_space<hbm>>
      %dma_start3A_29 = tpu.memref_slice %arg5[%mul3A_2] : memref<16384xf32, #tpu.memory_space<hbm>> -> memref<512xf32, #tpu.memory_space<hbm>>
      tpu.enqueue_dma source(%arg8 : memref<512xf32, #tpu.memory_space<vmem>>) target(%dma_start3A_29 : memref<512xf32, #tpu.memory_space<hbm>>) target_semaphore(%run_scoped3A : memref<!tpu.dma_semaphore, #tpu.memory_space<semaphore_mem>>)
      %dma_wait3A_30 = tpu.memref_slice %arg5[%mul3A_2] : memref<16384xf32, #tpu.memory_space<hbm>> -> memref<512xf32, #tpu.memory_space<hbm>>
      %dma_wait3A_31 = tpu.memref_slice %arg5[%mul3A_2] : memref<16384xf32, #tpu.memory_space<hbm>> -> memref<512xf32, #tpu.memory_space<hbm>>
      tpu.wait_dma2 semaphore(%run_scoped3A : memref<!tpu.dma_semaphore, #tpu.memory_space<semaphore_mem>>) src(%arg8 : memref<512xf32, #tpu.memory_space<vmem>>) dst(%dma_wait3A_31 : memref<512xf32, #tpu.memory_space<hbm>>)
      tpu.yield
    }) : () -> ()
    return
  }
}

</mosaic_0001>

<sc_bundles>
// kernel: kernel.3.cloned.1.call-start
scs
__scs_entry_jumppad:
0x0: {  	(pc) =	sbr.rel $0x88, $3  }
0x1: {  	(tag) =	ssettag $0x0;
	lr =	simm.s32 $0x1  }
0x2: {  	[smem:$0x3F9C] =	sst lr;
	_ =	strace $0xD0000000  }
0x3: {  	_ = 	snop  }
0x4: {  	_ = 	snop  }
0x5: {  	_ = 	snop  }
0x6: {  	_ = 	snop  }
0x7: {  	_ = 	snop  }
__scs_overlays_trampoline_lowered:
0x8: {  	[smem:$0x3FAB] =	sst s0  }
0x9: {  	[smem:$0x3FAC] =	sst s1  }
0xa: {  	[smem:$0x3FAD] =	sst s2  }
0xb: {  	[smem:$0x3FAE] =	sst s3  }
0xc: {  	[smem:$0x3FAF] =	sst s4  }
0xd: {  	[smem:$0x3FB0] =	sst s5  }
0xe: {  	[smem:$0x3FB1] =	sst s6  }
0xf: {  	[smem:$0x3FB2] =	sst s7  }
0x10: {  	[smem:$0x3FB3] =	sst s8  }
0x11: {  	[smem:$0x3FB4] =	sst s9;
	s0 =	simm.s32 @!p0 $0x0  }
0x12: {  	s1 =	sld [smem:$0x3F9A];
	s0 =	simm.s32 @p0 $0x1  }
0x13: {  	[smem:$0x3FB5] =	sst s0;
	s0 =	simm.s32 @!p1 $0x0  }
0x14: {  	s2 =	sld [smem:$0x3F99];
	s0 =	simm.s32 @p1 $0x1  }
0x15: {  	[smem:$0x3FB6] =	sst s0;
	s0 =	simm.s32 @!p2 $0x0  }
0x16: {  	s3 =	sld [smem:$0x3FDB];
	s0 =	simm.s32 @p2 $0x1  }
0x17: {  	s4 =	simm.s32 $0x1BF5;
	[smem:$0x3FB8] =	sst s0  }
0x18: {  	s0 =	sld [smem:$0x3F9B];
	_ =	swait.ge [sflag:s4], $0x0  }
0x19: {  	s7 =	sld [smem:$0x3F9C]  }
0x1a: {  	s8 =	sadd.s32 $0xFFFFE003, lr  }
0x1b: {  	s9 =	sadd.s32 $0xFFFFFEF7, lr;
	s5 =	simm.s32 $0xFFFFFFFF;
	p2 =	slt.u32 s8, $0xFFFFF086  }
0x1c: {  	p1 =	slt.u32 s9, $0xF7A;
	s5 =	simm.s32 @!p2 $0x0  }
0x1d: {  	s5 =	simm.s32 @p1 $0x1;
	p0 =	seq.s32 s7, s2  }
0x1e: {  	s7 =	smul.u32 @!p0 $0xF7A, s2;
	p2 =	seq.s32 @!p0 s5, $0x0  }
0x1f: {  	s9 =	smul.u32 $0xF7A, s1;
	s8 =	simm.s32 @!p0 $0x1BF5;
	p2 =	por !p2, p0  }
0x20: {  	[sflag:s8] =	ssyncset.s32 @!p0 $0xFFFFF086;
	s6 =	sadd.s32 @!p0 s3, s7;
	s7 =	simm.s32 @!p0 $0x108  }
0x21: {  	s3 =	sadd.s32 s3, s9;
	s6 =	sadd.s32 @!p0 $0x88, s6;
	s7 =	simm.s32 @p2 $0x1082  }
0x22: {  	[simem:s7], [sflag:s8] =	dma.local @!p0 [hbm:s6], $0xF7A  }
0x23: {  	s9 =	sor.u32 $0xD0000000, s2;
	s6 =	simm.s32 $0x108;
	_ =	swait.ge @!p0 [sflag:s8], $0x0  }
0x24: {  	s3 =	sadd.s32 $0x88, s3;
	s6 =	simm.s32 @!p1 $0x1082;
	[sflag:s4] =	ssyncset.s32 $0xFFFFF086  }
0x25: {  	[simem:s6], [sflag:s4] =	dma.local [hbm:s3], $0xF7A  }
0x26: {  	[smem:$0x3F9C] =	sst s1;
	(tag) =	ssettag s2;
	_ =	strace s9  }
0x27: {  	s1 =	sld [smem:$0x3FAC]  }
0x28: {  	s2 =	sld [smem:$0x3FAD]  }
0x29: {  	s4 =	sld [smem:$0x3FAF]  }
0x2a: {  	p0 =	seq.s32 s5, $0x0;
	s5 =	sld [smem:$0x3FB0]  }
0x2b: {  	s6 =	sld [smem:$0x3FB1]  }
0x2c: {  	s7 =	sld [smem:$0x3FB2]  }
0x2d: {  	s3 =	simm.s32 $0x108;
	s8 =	sld [smem:$0x3FB3]  }
0x2e: {  	s3 =	simm.s32 @!p0 $0x1082;
	s9 =	sld [smem:$0x3FB4]  }
0x2f: {  	lr =	sadd.s32 s0, s3;
	s0 =	sld [smem:$0x3FAB]  }
0x30: {  	s3 =	sld [smem:$0x3FAE]  }
0x31: {  	[smem:$0x3FB7] =	sst s10  }
0x32: {  	s10 =	sld [smem:$0x3FB5];
	_ =	sdelay $0x3  }
0x33: {  	p0 =	seq.s32 s10, $0x1;
	s10 =	sld [smem:$0x3FB7];
	_ =	sdelay $0x3  }
0x34: {  	[smem:$0x3FB7] =	sst s10  }
0x35: {  	s10 =	sld [smem:$0x3FB6];
	_ =	sdelay $0x3  }
0x36: {  	p1 =	seq.s32 s10, $0x1;
	s10 =	sld [smem:$0x3FB7];
	_ =	sdelay $0x3  }
0x37: {  	[smem:$0x3FB7] =	sst s10  }
0x38: {  	s10 =	sld [smem:$0x3FB8]  }
0x39: {  	_ = 	snop;
	(pc) =	sbr.ind lr, $3  }
0x3a: {  	_ = 	snop  }
0x3b: {  	_ = 	snop  }
0x3c: {  	p2 =	seq.s32 s10, $0x1;
	s10 =	sld [smem:$0x3FB7]  }
0x3d: {  	_ =	shalt  }
0x3e: {  	_ =	shalt  }
0x3f: {  	_ =	shalt  }
0x40: {  	_ =	shalt  }
0x41: {  	_ =	shalt  }
0x42: {  	_ =	shalt  }
0x43: {  	_ =	shalt  }
0x44: {  	_ =	shalt  }
0x45: {  	_ =	shalt  }
0x46: {  	_ =	shalt  }
0x47: {  	_ =	shalt  }
0x48: {  	_ =	shalt  }
0x49: {  	_ =	shalt  }
0x4a: {  	_ =	shalt  }
0x4b: {  	_ =	shalt  }
0x4c: {  	_ =	shalt  }
0x4d: {  	_ =	shalt  }
0x4e: {  	_ =	shalt  }
0x4f: {  	_ =	shalt  }
0x50: {  	_ =	shalt  }
0x51: {  	_ =	shalt  }
0x52: {  	_ =	shalt  }
0x53: {  	_ =	shalt  }
0x54: {  	_ =	shalt  }
0x55: {  	_ =	shalt  }
0x56: {  	_ =	shalt  }
0x57: {  	_ =	shalt  }
0x58: {  	_ =	shalt  }
0x59: {  	_ =	shalt  }
0x5a: {  	_ =	shalt  }
0x5b: {  	_ =	shalt  }
0x5c: {  	_ =	shalt  }
0x5d: {  	_ =	shalt  }
0x5e: {  	_ =	shalt  }
0x5f: {  	_ =	shalt  }
0x60: {  	_ =	shalt  }
0x61: {  	_ =	shalt  }
0x62: {  	_ =	shalt  }
0x63: {  	_ =	shalt  }
0x64: {  	_ =	shalt  }
0x65: {  	_ =	shalt  }
0x66: {  	_ =	shalt  }
0x67: {  	_ =	shalt  }
0x68: {  	_ =	shalt  }
0x69: {  	_ =	shalt  }
0x6a: {  	_ =	shalt  }
0x6b: {  	_ =	shalt  }
0x6c: {  	_ =	shalt  }
0x6d: {  	_ =	shalt  }
0x6e: {  	_ =	shalt  }
0x6f: {  	_ =	shalt  }
0x70: {  	_ =	shalt  }
0x71: {  	_ =	shalt  }
0x72: {  	_ =	shalt  }
0x73: {  	_ =	shalt  }
0x74: {  	_ =	shalt  }
0x75: {  	_ =	shalt  }
0x76: {  	_ =	shalt  }
0x77: {  	_ =	shalt  }
0x78: {  	_ =	shalt  }
0x79: {  	_ =	shalt  }
0x7a: {  	_ =	shalt  }
0x7b: {  	_ =	shalt  }
0x7c: {  	_ =	shalt  }
0x7d: {  	_ =	shalt  }
0x7e: {  	_ =	shalt  }
0x7f: {  	_ =	shalt  }
0x80: {  	_ =	shalt  }
0x81: {  	_ =	shalt  }
0x82: {  	_ =	shalt  }
0x83: {  	_ =	shalt  }
0x84: {  	_ =	shalt  }
0x85: {  	_ =	shalt  }
0x86: {  	_ =	shalt  }
0x87: {  	_ =	shalt  }
.Lfunc_end0:
.L_simem_size_0:
called_computation_lowered:
.L_overlay_start_0:
0x88: {  	s2 =	sld [smem:$0x3FD9]  }
0x89: {  	s3 =	sld [smem:$0x3FFE];
	_ =	sdelay $0x1  }
0x8a: {  	s1 =	srdreg.scid  }
0x8b: {  	s0 =	sand.u32 $0x1, s1  }
0x8c: {  	s17 =	sshll.u32 s0, $0xA;
	s2 =	sadd.s32 s3, s2  }
0x8d: {  	s2 =	sadd.s32 s2, s17  }
0x8e: {  	[smem:$0x3FC3] =	sst s2  }
0x8f: {  	_ = 	snop  }
0x90: {  	s2 =	sld [smem:$0x3FC9]  }
0x91: {  	s18 =	sld [smem:$0x3FC8]  }
0x92: {  	s4 =	sld [smem:$0x3FD0];
	(tm) =	ssettm $0x1  }
0x93: {  	s5 =	sld [smem:$0x3FFB];
	_ =	sdelay $0x3  }
0x94: {  	_ =	strace s5  }
0x95: {  	s5 =	sld [smem:$0x3FFC];
	_ =	sdelay $0x3  }
0x96: {  	_ =	strace s5  }
0x97: {  	s5 =	sld [smem:$0x3FFD];
	_ =	sdelay $0x3  }
0x98: {  	_ =	strace s5  }
0x99: {  	_ =	strace $0x8FFFFFFF  }
0x9a: {  	s19 =	sld [smem:$0x3FDB];
	_ =	sdelay $0x1  }
0x9b: {  	s6 =	simm.s32 $_scs_section_size  }
0x9c: {  	s7 =	simm.s32 $_size__tile_overlayer_lowered;
	s8 =	simm.s32 $_tile_overlayer_lowered  }
0x9d: {  	s22 =	simm.s32 $0x1BFF;
	s21 =	sshll.u32 s8, $0x1;
	s5 =	sadd.s32 s6, s19  }
0x9e: {  	s9 =	simm.s32 $0x0;
	s20 =	sshll.u32 s7, $0x1;
	s7 =	sadd.s32 s21, s5  }
0x9f: {  	[timem:s9], [sflag:s22] =	dma.local [hbm:s7], s20  }
0xa0: {  	_ =	swait.ge [sflag:s22], s20  }
0xa1: {  	s6 =	ssub.s32 $0x0, s20;
	[sflag:s22] =	ssyncset.done $0x0  }
0xa2: {  	[sflag:s22] =	ssyncadd.s32 s6;
	_ =	sdelay $0x1  }
0xa3: {  	s23 =	simm.s32 $0x1B8B  }
0xa4: {  	_ =	swait.ge [sflag:s23], $0x1  }
0xa5: {  	[sflag:s23] =	ssyncset.done $0x0  }
0xa6: {  	s25 =	simm.s32 $0x1B8E;
	s24 =	sld [smem:$0x3FFE];
	[sflag:s23] =	ssyncadd.s32 $0xFFFFFFFF  }
0xa7: {  	s26 =	simm.s32 $execute0_lowered;
	[smem:$0x3FD2] =	sst s25  }
0xa8: {  	s7 =	sshll.u32 s26, $0x1;
	_ =	strace $0x80000046;
	[dreg:$0x1] =	wrdreg $0xFFFFFFFF  }
0xa9: {  	s28 =	simm.s32 $_size_execute0_lowered;
	s5 =	sadd.s32 s5, s7;
	[dreg:$0x0] =	wrdreg $0x0  }
0xaa: {  	s7 =	sshll.u32 s28, $0x1;
	[dreg:$0x2] =	wrdreg s5  }
0xab: {  	[dreg:$0x3] =	wrdreg s7  }
0xac: {  	[dreg:$0x4] =	wrdreg $0xC0  }
0xad: {  	_ =	task [dreg:s9], $0x5FFFF  }
0xae: {  	[dreg:$0x1] =	wrdreg $0xFFFFFFFF  }
0xaf: {  	[dreg:$0x0] =	wrdreg $0x60  }
0xb0: {  	[dreg:$0x2] =	wrdreg s2  }
0xb1: {  	[dreg:$0x3] =	wrdreg s18  }
0xb2: {  	[dreg:$0x4] =	wrdreg s24  }
0xb3: {  	[dreg:$0x5] =	wrdreg s4  }
0xb4: {  	[dreg:$0x6] =	wrdreg $0x9  }
0xb5: {  	_ =	task.clear_ibuf [dreg:s9], $0x7FFFF;
	_ =	strace $0x90000046  }
0xb6: {  	s29 =	simm.s32 $0x9;
	_ =	strace $0x80000048  }
0xb7: {  	_ =	swait.ge [sflag:s29], $0x1  }
0xb8: {  	[sflag:s29] =	ssyncadd.s32 $0xFFFFFFFF  }
0xb9: {  	_ =	strace $0x90000048  }
0xba: {  	_ =	sfence  }
0xbb: {  	s30 =	sld [smem:$0x0];
	_ =	sdelay $0x2  }
0xbc: {  	s31 =	sshll.u32 s1, $0xD;
	s1 =	sshrl.u32 s1, $0x2  }
0xbd: {  	s3 =	sand.u32 $0x4000, s31;
	s1 =	sadd.s32 s1, s30  }
0xbe: {  	s0 =	sor.u32 s3, s0;
	s1 =	sshll.u32 s1, $0x11  }
0xbf: {  	s0 =	sor.u32 s1, s0  }
0xc0: {  	s0 =	sadd.s32 $0x8F2B, s0  }
0xc1: {  	[sflag:s0] =	ssyncadd.remote.s32 $0x1  }
0xc2: {  	_ =	sfence.sel $0xFFFF  }
0xc3: {  	[dreg:$0x0] =	wrdreg $0xFFFFFFFF;
	(pc) =	sbr.abs _section_cstart, $3  }
0xc4: {  	[dreg:$0x1] =	wrdreg $0xFFFFFFFF  }
0xc5: {  	_ =	task.clear_ibuf [dreg:s9], $0x2FFFF;
	_ =	strace $0x9FFFFFFF  }
0xc6: {  	(tm) =	ssettm $0x7FFFFFFF  }
0xc7: {  	_ =	shalt  }
tec
execute0_lowered:
.L_overlay_start_1:
0x0: {  	(tag) =	ssettag $0x1  }
0x1: {  	s4 =	rddreg [dreg:$0x0]  }
0x2: {  	s5 =	rddreg [dreg:$0x1]  }
0x3: {  	s3 =	rddreg [dreg:$0x2]  }
0x4: {  	s6 =	rddreg [dreg:$0x3]  }
0x5: {  	s0 =	rddreg [dreg:$0x4];
	s2 =	simm.s32 $0x0;
	s7 =	srdreg.scid  }
0x6: {  	s1 =	stileid.u32;
	s11 =	simm.s32 $0x400;
	s12 =	simm.s32 $0x2  }
0x7: {  	s13 =	simm.s32 $0x0;
	[smem:$0x7FF] =	sst s2;
	s7 =	sand.u32 $0x1, s7  }
0x8: {  	s9 =	sshll.u32 s1, $0x7;
	s3 =	sadd.s32 $0xA00, s3;
	s8 =	ssub.s32 $0x2, s7  }
0x9: {  	s7 =	sshll.u32 s7, $0x6;
	_ =	strace $0x80000047;
	s10 =	sshrl.u32 s8, $0x1  }
0xa: {  	s7 =	sor.u32 s7, s9;
	s9 =	simm.s32 $0x600;
	s8 =	ssub.s32 s8, s10  }
0xb: {  	s4 =	sadd.s32 s4, s7;
	s5 =	sadd.s32 s5, s7;
	s6 =	sadd.s32 s6, s7  }
0xc: {  	s10 =	simm.s32 $0x1;
	s7 =	smax.u32 s8, $0x1;
	s8 =	simm.s32 $0x200  }
.LBB2_1:
0xd: {  	[tilespmem:s2], [sflag:$0x1] =	stream.linear.gather [hbm4b:s4+s2], $0x200, $0x38;
	[tilespmem:$0x680] =	vst v63  }
0xe: {  	_ = 	snop  }
0xf: {  	[tilespmem:s8], [sflag:$0x1] =	stream.linear.gather [hbm4b:s5+s2], $0x200, $0x38;
	[tilespmem:$0x680] =	vst v63  }
0x10: {  	_ = 	snop  }
0x11: {  	[tilespmem:s9], [sflag:$0x1] =	stream.linear.gather [hbm4b:s3+s2], $0x80, $0x38;
	[tilespmem:$0x680] =	vst v63  }
0x12: {  	_ =	swait.ge [sflag:s10], $0x200  }
0x13: {  	[sflag:s10] =	ssyncset.done $0x0  }
0x14: {  	[sflag:s10] =	ssyncadd.s32 $0xFFFFFE00  }
0x15: {  	_ =	swait.ge [sflag:s10], $0x200  }
0x16: {  	[sflag:s10] =	ssyncset.done $0x0  }
0x17: {  	[sflag:s10] =	ssyncadd.s32 $0xFFFFFE00  }
0x18: {  	_ =	swait.ge [sflag:s10], $0x80  }
0x19: {  	[sflag:s10] =	ssyncset.done $0x0  }
0x1a: {  	[sflag:s10] =	ssyncadd.s32 $0xFFFFFF80  }
0x1b: {  	s14 =	simm.s32 $0x0;
	v4 =	vld [tilespmem:$0x600]  }
0x1c: {  	v2 =	vld [tilespmem:s14+$0x0];
	_ =	sdelay $0x1  }
0x1d: {  	s15 =	simm.s32 $0x10;
	v5 =	vld [tilespmem:s14+$0x200]  }
0x1e: {  	v6 =	vld [tilespmem:s15+$0x0];
	_ =	sdelay $0x1  }
0x1f: {  	v0 =	vbroadcast v4, $0x0;
	v1 =	vbroadcast v4, $0x1;
	v7 =	vand.u32 $0x1, v2  }
0x20: {  	v8 =	vld [tilespmem:s15+$0x200];
	v2 =	vbroadcast v4, $0x2;
	v3 =	vbroadcast v4, $0x3;
	vm0 =	veq.s32 v7, $0x0  }
0x21: {  	v7 =	vsel vm0, v0, v1  }
0x22: {  	v6 =	vand.u32 $0x1, v6;
	v5 =	vmul.f32 v5, v3;
	v7 =	vmul.f32 v7, v2  }
0x23: {  	vm12 =	veq.s32 v6, $0x0  }
0x24: {  	s16 =	simm.s32 $0x20;
	v4 =	vbroadcast v4, $0x4;
	v5 =	vadd.f32 v7, v5;
	v7 =	vsel vm12, v0, v1  }
0x25: {  	v6 =	vld [tilespmem:s16+$0x0];
	v8 =	vmul.f32 v8, v3;
	v7 =	vmul.f32 v7, v2  }
0x26: {  	s17 =	simm.s32 $0x30;
	v9 =	vld [tilespmem:s16+$0x200];
	v5 =	vadd.f32 v5, v4  }
0x27: {  	v7 =	vadd.f32 v7, v8;
	v8 =	vld [tilespmem:s17+$0x0]  }
0x28: {  	v5 =	vmul.f32 $1.442695020e+00, v5;
	_ =	sdelay $0x1  }
0x29: {  	(erf) = vpow2.f32 v5;
	v5 =	vand.u32 $0x1, v6  }
0x2a: {  	v6 =	vadd.f32 v7, v4;
	vm13 =	veq.s32 v5, $0x0;
	v5 =	vld [tilespmem:s17+$0x200]  }
0x2b: {  	v9 =	vmul.f32 v9, v3;
	v7 =	vsel vm13, v0, v1;
	v8 =	vand.u32 $0x1, v8  }
0x2c: {  	v6 =	vmul.f32 $1.442695020e+00, v6;
	v7 =	vmul.f32 v7, v2;
	vm14 =	veq.s32 v8, $0x0  }
0x2d: {  	v8 =	vsel vm14, v0, v1  }
0x2e: {  	(erf) = vpow2.f32 v6;
	v7 =	vadd.f32 v7, v9;
	v8 =	vmul.f32 v8, v2  }
0x2f: {  	s18 =	simm.s32 $0x40;
	v5 =	vmul.f32 v5, v3  }
0x30: {  	v6 =	vld [tilespmem:s18+$0x0];
	v7 =	vadd.f32 v7, v4  }
0x31: {  	v5 =	vadd.f32 v8, v5  }
0x32: {  	v8 =	vpop (erf);
	v7 =	vmul.f32 $1.442695020e+00, v7  }
0x33: {  	v9 =	vld [tilespmem:s18+$0x200];
	v8 =	vadd.f32 $1.000000000e+00, v8;
	v5 =	vadd.f32 v5, v4  }
0x34: {  	(erf) = vpow2.f32 v7  }
0x35: {  	s19 =	simm.s32 $0x50;
	v6 =	vand.u32 $0x1, v6;
	v11 =	vmul.f32 $1.442695020e+00, v5;
	(erf) = vrcp.f32 v8  }
0x36: {  	vm15 =	veq.s32 v6, $0x0;
	v5 =	vld [tilespmem:s19+$0x0]  }
0x37: {  	v6 =	vsel vm15, v0, v1;
	v7 =	vpop (erf);
	(erf) = vpow2.f32 v11  }
0x38: {  	v9 =	vmul.f32 v9, v3;
	v10 =	vmul.f32 v6, v2;
	v6 =	vld [tilespmem:s19+$0x200]  }
0x39: {  	v7 =	vadd.f32 $1.000000000e+00, v7  }
0x3a: {  	s20 =	simm.s32 $0x180;
	v8 =	vadd.f32 v10, v9  }
.LBB2_2:
0x3b: {  	s21 =	sshra.s32 s20, $0x2;
	v9 =	vand.u32 $0x1, v5;
	(erf) = vrcp.f32 v7;
	p0 =	sne.s32 s20, $0x7C0  }
.Ltmp0:
0x3c: {  	s20 =	sadd.s32 $0x40, s20;
	v5 =	vld [tilespmem:s21+$0x0];
	vm0 =	veq.s32 v9, $0x0;
	v7 =	vadd.f32 v8, v4;
	(pc) =	sbr.rel @p0 .LBB2_2-.Ltmp0, $4  }
0x3d: {  	v8 =	vsel vm0, v0, v1;
	v9 =	vmul.f32 v6, v3;
	v10 =	vpop (erf)  }
0x3e: {  	v6 =	vld [tilespmem:s21+$0x200];
	v8 =	vmul.f32 v8, v2;
	v11 =	vmul.f32 $1.442695020e+00, v7;
	v12 =	vpop (erf)  }
0x3f: {  	v7 =	vadd.f32 $1.000000000e+00, v10;
	[tilespmem:s14+$0x400] =	vst v12;
	s14 =	smov.u32 s15;
	s15 =	smov.u32 s16;
	s16 =	smov.u32 s17  }
0x40: {  	s17 =	smov.u32 s18;
	s18 =	smov.u32 s19;
	s19 =	smov.u32 s21;
	v8 =	vadd.f32 v8, v9;
	(erf) = vpow2.f32 v11  }
0x41: {  	v5 =	vand.u32 $0x1, v5  }
0x42: {  	vm0 =	veq.s32 v5, $0x0  }
0x43: {  	v0 =	vsel vm0, v0, v1  }
0x44: {  	v51 =	vmul.f32 v6, v3;
	v0 =	vmul.f32 v0, v2;
	_ =	sdelay $0x1  }
0x45: {  	v52 =	vadd.f32 v8, v4;
	v0 =	vadd.f32 v0, v51;
	_ =	sdelay $0x1  }
0x46: {  	v53 =	vpop (erf);
	v2 =	vmul.f32 $1.442695020e+00, v52;
	v0 =	vadd.f32 v0, v4  }
0x47: {  	(erf) = vrcp.f32 v7;
	v1 =	vadd.f32 $1.000000000e+00, v53  }
0x48: {  	(erf) = vpow2.f32 v2;
	v0 =	vmul.f32 $1.442695020e+00, v0  }
0x49: {  	(erf) = vrcp.f32 v1  }
0x4a: {  	(erf) = vpow2.f32 v0;
	_ =	sdelay $0x3  }
0x4b: {  	v54 =	vpop (erf)  }
0x4c: {  	v55 =	vpop (erf)  }
0x4d: {  	v56 =	vpop (erf)  }
0x4e: {  	v57 =	vpop (erf)  }
0x4f: {  	v1 =	vadd.f32 $1.000000000e+00, v55;
	v58 =	vpop (erf)  }
0x50: {  	v3 =	vadd.f32 $1.000000000e+00, v57;
	v59 =	vpop (erf)  }
0x51: {  	(erf) = vrcp.f32 v1;
	v60 =	vadd.f32 $1.000000000e+00, v59  }
0x52: {  	(erf) = vrcp.f32 v3  }
0x53: {  	(erf) = vrcp.f32 v60;
	_ =	sdelay $0x4  }
0x54: {  	[tilespmem:s14+$0x400] =	vst v54  }
0x55: {  	[tilespmem:s15+$0x400] =	vst v56  }
0x56: {  	[tilespmem:s16+$0x400] =	vst v58;
	v61 =	vpop (erf)  }
0x57: {  	s13 =	sadd.s32 $0x1, s13;
	[tilespmem:s17+$0x400] =	vst v61;
	v62 =	vpop (erf)  }
0x58: {  	p0 =	sne.s32 s13, s7;
	[tilespmem:s18+$0x400] =	vst v62;
	v63 =	vpop (erf)  }
.Ltmp1:
0x59: {  	[tilespmem:s19+$0x400] =	vst v63;
	(pc) =	sbr.rel @p0 .LBB2_1-.Ltmp1, $4  }
0x5a: {  	[hbm4b:s6+s2] =	stream.linear.scatter [tilespmem:s11], [sflag:$0x2], $0x200, $0x38;
	[tilespmem:$0x680] =	vst v63  }
0x5b: {  	_ =	swait.ge [sflag:s12], $0x200  }
0x5c: {  	[sflag:s12] =	ssyncset.done $0x0  }
0x5d: {  	[sflag:s12] =	ssyncadd.s32 $0xFFFFFE00  }
0x5e: {  	_ =	sfence.sel $0x180000  }
0x5f: {  	[bflag:$0x0] =	sbarrier.arrive $0xFFFF  }
0x60: {  	p0 =	sne.s32 s1, $0x0;
	_ =	strace $0x90000047  }
0x61: {  	s0 =	sadd.s32 @!p0 $0x100000, s0;
	[bflag:$0x2] =	sbarrier.arrive $0xFFFF  }
0x62: {  	[sflag:s0] =	ssyncadd.tile.s32 @!p0 $0x1;
	_ =	shalt  }
.Lfunc_end2:
_tile_overlayer_lowered:
.L_overlay_start_2:
0x63: {  	(tag) =	ssettag $0x2  }
0x64: {  	s0 =	rddreg [dreg:$0x0];
	s2 =	stileid.u32  }
0x65: {  	s1 =	rddreg [dreg:$0x1];
	p0 =	sne.s32 s2, $0x0  }
0x66: {  	s3 =	rddreg [dreg:$0x2];
	[bflag:$0x3] =	sbarrier.arrive $0xFFFF;
	s2 =	simm.s32 @!p0 $0x1C02  }
0x67: {  	[timem:s3], [sflag:s2] =	dma.local @!p0 [hbm:s0], s1  }
0x68: {  	s0 =	simm.s32 @!p0 $0x2  }
0x69: {  	_ =	swait.ge @!p0 [sflag:s0], s1  }
0x6a: {  	s1 =	ssub.s32 @!p0 $0x0, s1;
	[sflag:s0] =	ssyncset.done @!p0 $0x0  }
0x6b: {  	[sflag:s0] =	ssyncadd.s32 @!p0 s1  }
0x6c: {  	[bflag:$0x3] =	sbarrier.arrive $0xFFFF  }
0x6d: {  	_ =	shalt  }

</sc_bundles>
